<compile_context>
chip_gen: v7x
topology: tpu7x:2x2x1
jax: 0.10.2.dev20260603
libtpu: 0.0.44.dev20260713+nightly
codegen_flags: <defaults>
</compile_context>

<pallas_src>
import functools

import jax
import jax.numpy as jnp
from jax import lax
from jax.experimental import pallas as pl
from jax.experimental.pallas import tpu as pltpu
from jax.experimental.pallas import tpu_sc as plsc

NC, NS, L = 2, 16, 16
NW = NC * NS


def _node_scores_body(w2_ref, x_ref, out_ref):
    out_ref[...] = lax.dot_general(
        w2_ref[...], x_ref[...],
        dimension_numbers=(((1,), (1,)), ((), ())),
        preferred_element_type=jnp.float32,
    )


def _node_scores(w2, X):
    N = X.shape[0]
    return pl.pallas_call(
        _node_scores_body,
        out_shape=jax.ShapeDtypeStruct((2, N), jnp.float32),
    )(w2, X)


def _gsum_body(scores_hbm, ei_hbm, out_hbm, src_v, dst_v, ps_v, pd_v, out_v):
    epw = out_v.shape[0]
    n = ps_v.shape[0]
    e = out_hbm.shape[0]
    wid = lax.axis_index("s") * NC + lax.axis_index("c")
    base = wid * epw
    pltpu.sync_copy(scores_hbm.at[pl.ds(0, n)], ps_v)
    pltpu.sync_copy(scores_hbm.at[pl.ds(n, n)], pd_v)
    pltpu.sync_copy(ei_hbm.at[pl.ds(base, epw)], src_v)
    pltpu.sync_copy(ei_hbm.at[pl.ds(e + base, epw)], dst_v)

    def body(i, _):
        sl = pl.ds(i * L, L)
        g = plsc.load_gather(ps_v, [src_v[sl]])
        g = g + plsc.load_gather(pd_v, [dst_v[sl]])
        out_v[sl] = g
        return 0

    lax.fori_loop(0, epw // L, body, 0)
    pltpu.sync_copy(out_v, out_hbm.at[pl.ds(base, epw)])


def _gsum(scores, edge_index):
    N = scores.shape[1]
    E = edge_index.shape[1]
    epw = E // NW
    scores = scores.reshape(2 * N)
    edge_index = edge_index.reshape(2 * E)
    mesh = plsc.VectorSubcoreMesh(
        core_axis_name="c", subcore_axis_name="s", num_cores=NC, num_subcores=NS
    )
    return pl.kernel(
        _gsum_body,
        out_type=jax.ShapeDtypeStruct((E,), jnp.float32),
        mesh=mesh,
        compiler_params=pltpu.CompilerParams(needs_layout_passes=False),
        scratch_types=[
            pltpu.VMEM((epw,), jnp.int32),
            pltpu.VMEM((epw,), jnp.int32),
            pltpu.VMEM((N,), jnp.float32),
            pltpu.VMEM((N,), jnp.float32),
            pltpu.VMEM((epw,), jnp.float32),
        ],
    )(scores, edge_index)


def _edge_out_body(wemb_ref, wst_ref, b_ref, emb_ref, st_ref, g_ref, out_ref):
    et = lax.dot_general(
        wemb_ref[...], emb_ref[...],
        dimension_numbers=(((1,), (0,)), ((), ())),
        preferred_element_type=jnp.float32,
    )
    st = lax.dot_general(
        wst_ref[...], st_ref[...],
        dimension_numbers=(((1,), (0,)), ((), ())),
        preferred_element_type=jnp.float32,
    )
    out_ref[...] = et + st + g_ref[...] + b_ref[0]


def _edge_out(w_emb, w_st, b, emb, static, gsum, be):
    E, EMB = emb.shape
    S = static.shape[1]
    nb = E // be
    emb_t = emb.T
    st_t = static.T
    g2 = gsum.reshape(1, E)
    out2 = pl.pallas_call(
        _edge_out_body,
        grid=(nb,),
        in_specs=[
            pl.BlockSpec((1, EMB), lambda i: (0, 0)),
            pl.BlockSpec((1, S), lambda i: (0, 0)),
            pl.BlockSpec(memory_space=pltpu.SMEM),
            pl.BlockSpec((EMB, be), lambda i: (0, i)),
            pl.BlockSpec((S, be), lambda i: (0, i)),
            pl.BlockSpec((1, be), lambda i: (0, i)),
        ],
        out_specs=pl.BlockSpec((1, be), lambda i: (0, i)),
        out_shape=jax.ShapeDtypeStruct((1, E), jnp.float32),
    )(w_emb, w_st, b, emb_t, st_t, g2)
    return out2.reshape(E, 1)


def kernel(X, edge_index, edge_embedding, static_edge_features, W_out, b_out):
    N, H = X.shape
    E = edge_index.shape[1]
    EMB = edge_embedding.shape[1]
    w2 = W_out[:, : 2 * H].reshape(2, H)
    w_emb = W_out[:, 2 * H : 2 * H + EMB]
    w_st = W_out[:, 2 * H + EMB :]
    scores = _node_scores(w2, X)
    gsum = _gsum(scores, edge_index)
    return _edge_out(w_emb, w_st, b_out, edge_embedding, static_edge_features,
                     gsum, be=6400)

# --- scband reference (transcript-rebuilt; emitter-appended) ---
"""Pipeline reference for scband-edge-property-predictor-30374008717369 (READ-ONLY COPY).

The authoritative reference and input builder live on the scoring server;
editing this copy changes nothing except your own understanding.
"""

import jax, jax.numpy as jnp
import numpy as np

N, E, H, EMB, S, OUT = 10000, 320000, 128, 200, 16, 1
NUM_FEATURES = 2 * H + EMB + S  # 472


def setup_inputs(seed: int = 0) -> dict:
    key = jax.random.key(seed)
    ks = jax.random.split(key, 6)
    X = jax.random.normal(ks[0], (N, H), dtype=jnp.float32)
    edge_index = jax.random.randint(ks[1], (2, E), 0, N)
    edge_embedding = jax.random.normal(ks[2], (E, EMB), dtype=jnp.float32)
    static_edge_features = jax.random.normal(ks[3], (E, S), dtype=jnp.float32)
    # output_layer = nn.Linear(num_features=472, out_dimension=1)
    W_out = jax.random.normal(ks[4], (OUT, NUM_FEATURES), dtype=jnp.float32) / np.sqrt(NUM_FEATURES)
    b_out = jnp.zeros((OUT,), dtype=jnp.float32)
    return {
        "X": X,
        "edge_index": edge_index,
        "edge_embedding": edge_embedding,
        "static_edge_features": static_edge_features,
        "W_out": W_out,
        "b_out": b_out,
    }


def reference(X, edge_index, edge_embedding, static_edge_features, W_out, b_out):
    # concat_node_pairs (subgraph_features=False): gather src/dst node features
    src = edge_index[0]
    dst = edge_index[1]
    X_src = jnp.take(X, src, axis=0)
    X_dst = jnp.take(X, dst, axis=0)
    node_pairs = jnp.concatenate([X_src, X_dst], axis=1)
    # input_dropout / latent_dropout are identity in eval mode
    feats = jnp.concatenate([node_pairs, edge_embedding, static_edge_features], axis=-1)
    # dense_depth=0 -> no hidden dense layers; straight to output layer
    logits = feats @ W_out.T + b_out
    return logits

if __name__ == "__main__":
    import jax
    _d = setup_inputs()
    print(jax.jit(kernel)(*tuple(_d.values())))

</pallas_src>

<mosaic_0001>
#map = affine_map<(d0, d1) -> (0)>
module attributes {stable_mosaic.version = 14 : i64} {
  func.func @_gsum_body(%arg0: i32, %arg1: i32, %arg2: memref<20000xf32, #tpu.memory_space<hbm>>, %arg3: memref<640000xi32, #tpu.memory_space<hbm>>, %arg4: memref<320000xf32, #tpu.memory_space<hbm>>, %arg5: memref<10000xi32, #tpu.memory_space<vmem>>, %arg6: memref<10000xi32, #tpu.memory_space<vmem>>, %arg7: memref<10000xf32, #tpu.memory_space<vmem>>, %arg8: memref<10000xf32, #tpu.memory_space<vmem>>, %arg9: memref<10000xf32, #tpu.memory_space<vmem>>) attributes {dimension_semantics = [#tpu.dimension_semantics<core_parallel>, #tpu.dimension_semantics<subcore_parallel>], iteration_bounds = array<i64: 2, 16>, scalar_prefetch = 0 : i64, scratch_operands = 5 : i64, tpu.core_type = #tpu.core_type<sc_vector_subcore>, window_params = [{transform_indices = #map}, {transform_indices = #map}, {transform_indices = #map}]} {
    %mul3A = arith.constant 2 : i32
    %mul3A_0 = arith.muli %arg1, %mul3A : i32
    %add3A = arith.addi %mul3A_0, %arg0 : i32
    %mul3A_1 = arith.constant 10000 : i32
    %mul3A_2 = arith.muli %add3A, %mul3A_1 : i32
    "tpu.region"() ({
      %run_scoped3A = tpu.sem_alloc : memref<!tpu.dma_semaphore, #tpu.memory_space<semaphore_mem>>
      %dma_start3A = arith.constant 0 : i32
      %dma_start3A_11 = tpu.memref_slice %arg2[%dma_start3A] : memref<20000xf32, #tpu.memory_space<hbm>> -> memref<10000xf32, #tpu.memory_space<hbm>>
      %dma_start3A_12 = arith.constant 0 : i32
      %dma_start3A_13 = tpu.memref_slice %arg2[%dma_start3A_12] : memref<20000xf32, #tpu.memory_space<hbm>> -> memref<10000xf32, #tpu.memory_space<hbm>>
      tpu.enqueue_dma source(%dma_start3A_13 : memref<10000xf32, #tpu.memory_space<hbm>>) target(%arg7 : memref<10000xf32, #tpu.memory_space<vmem>>) target_semaphore(%run_scoped3A : memref<!tpu.dma_semaphore, #tpu.memory_space<semaphore_mem>>)
      %dma_wait3A = arith.constant 0 : i32
      %dma_wait3A_14 = tpu.memref_slice %arg2[%dma_wait3A] : memref<20000xf32, #tpu.memory_space<hbm>> -> memref<10000xf32, #tpu.memory_space<hbm>>
      %dma_wait3A_15 = arith.constant 0 : i32
      %dma_wait3A_16 = tpu.memref_slice %arg2[%dma_wait3A_15] : memref<20000xf32, #tpu.memory_space<hbm>> -> memref<10000xf32, #tpu.memory_space<hbm>>
      tpu.wait_dma2 semaphore(%run_scoped3A : memref<!tpu.dma_semaphore, #tpu.memory_space<semaphore_mem>>) src(%dma_wait3A_16 : memref<10000xf32, #tpu.memory_space<hbm>>) dst(%arg7 : memref<10000xf32, #tpu.memory_space<vmem>>)
      tpu.yield
    }) : () -> ()
    "tpu.region"() ({
      %run_scoped3A = tpu.sem_alloc : memref<!tpu.dma_semaphore, #tpu.memory_space<semaphore_mem>>
      %dma_start3A = arith.constant 10000 : i32
      %dma_start3A_11 = tpu.memref_slice %arg2[%dma_start3A] : memref<20000xf32, #tpu.memory_space<hbm>> -> memref<10000xf32, #tpu.memory_space<hbm>>
      %dma_start3A_12 = arith.constant 10000 : i32
      %dma_start3A_13 = tpu.memref_slice %arg2[%dma_start3A_12] : memref<20000xf32, #tpu.memory_space<hbm>> -> memref<10000xf32, #tpu.memory_space<hbm>>
      tpu.enqueue_dma source(%dma_start3A_13 : memref<10000xf32, #tpu.memory_space<hbm>>) target(%arg8 : memref<10000xf32, #tpu.memory_space<vmem>>) target_semaphore(%run_scoped3A : memref<!tpu.dma_semaphore, #tpu.memory_space<semaphore_mem>>)
      %dma_wait3A = arith.constant 10000 : i32
      %dma_wait3A_14 = tpu.memref_slice %arg2[%dma_wait3A] : memref<20000xf32, #tpu.memory_space<hbm>> -> memref<10000xf32, #tpu.memory_space<hbm>>
      %dma_wait3A_15 = arith.constant 10000 : i32
      %dma_wait3A_16 = tpu.memref_slice %arg2[%dma_wait3A_15] : memref<20000xf32, #tpu.memory_space<hbm>> -> memref<10000xf32, #tpu.memory_space<hbm>>
      tpu.wait_dma2 semaphore(%run_scoped3A : memref<!tpu.dma_semaphore, #tpu.memory_space<semaphore_mem>>) src(%dma_wait3A_16 : memref<10000xf32, #tpu.memory_space<hbm>>) dst(%arg8 : memref<10000xf32, #tpu.memory_space<vmem>>)
      tpu.yield
    }) : () -> ()
    "tpu.region"() ({
      %run_scoped3A = tpu.sem_alloc : memref<!tpu.dma_semaphore, #tpu.memory_space<semaphore_mem>>
      %dma_start3A = tpu.memref_slice %arg3[%mul3A_2] : memref<640000xi32, #tpu.memory_space<hbm>> -> memref<10000xi32, #tpu.memory_space<hbm>>
      %dma_start3A_11 = tpu.memref_slice %arg3[%mul3A_2] : memref<640000xi32, #tpu.memory_space<hbm>> -> memref<10000xi32, #tpu.memory_space<hbm>>
      tpu.enqueue_dma source(%dma_start3A_11 : memref<10000xi32, #tpu.memory_space<hbm>>) target(%arg5 : memref<10000xi32, #tpu.memory_space<vmem>>) target_semaphore(%run_scoped3A : memref<!tpu.dma_semaphore, #tpu.memory_space<semaphore_mem>>)
      %dma_wait3A = tpu.memref_slice %arg3[%mul3A_2] : memref<640000xi32, #tpu.memory_space<hbm>> -> memref<10000xi32, #tpu.memory_space<hbm>>
      %dma_wait3A_12 = tpu.memref_slice %arg3[%mul3A_2] : memref<640000xi32, #tpu.memory_space<hbm>> -> memref<10000xi32, #tpu.memory_space<hbm>>
      tpu.wait_dma2 semaphore(%run_scoped3A : memref<!tpu.dma_semaphore, #tpu.memory_space<semaphore_mem>>) src(%dma_wait3A_12 : memref<10000xi32, #tpu.memory_space<hbm>>) dst(%arg5 : memref<10000xi32, #tpu.memory_space<vmem>>)
      tpu.yield
    }) : () -> ()
    %add3A_3 = arith.constant 320000 : i32
    %add3A_4 = arith.addi %add3A_3, %mul3A_2 : i32
    "tpu.region"() ({
      %run_scoped3A = tpu.sem_alloc : memref<!tpu.dma_semaphore, #tpu.memory_space<semaphore_mem>>
      %dma_start3A = tpu.memref_slice %arg3[%add3A_4] : memref<640000xi32, #tpu.memory_space<hbm>> -> memref<10000xi32, #tpu.memory_space<hbm>>
      %dma_start3A_11 = tpu.memref_slice %arg3[%add3A_4] : memref<640000xi32, #tpu.memory_space<hbm>> -> memref<10000xi32, #tpu.memory_space<hbm>>
      tpu.enqueue_dma source(%dma_start3A_11 : memref<10000xi32, #tpu.memory_space<hbm>>) target(%arg6 : memref<10000xi32, #tpu.memory_space<vmem>>) target_semaphore(%run_scoped3A : memref<!tpu.dma_semaphore, #tpu.memory_space<semaphore_mem>>)
      %dma_wait3A = tpu.memref_slice %arg3[%add3A_4] : memref<640000xi32, #tpu.memory_space<hbm>> -> memref<10000xi32, #tpu.memory_space<hbm>>
      %dma_wait3A_12 = tpu.memref_slice %arg3[%add3A_4] : memref<640000xi32, #tpu.memory_space<hbm>> -> memref<10000xi32, #tpu.memory_space<hbm>>
      tpu.wait_dma2 semaphore(%run_scoped3A : memref<!tpu.dma_semaphore, #tpu.memory_space<semaphore_mem>>) src(%dma_wait3A_12 : memref<10000xi32, #tpu.memory_space<hbm>>) dst(%arg6 : memref<10000xi32, #tpu.memory_space<vmem>>)
      tpu.yield
    }) : () -> ()
    %scan3A = arith.constant 0 : i32
    %scan3A_5 = arith.constant 0 : i32
    %scan3A_6 = arith.constant 625 : i32
    %scan3A_7 = arith.addi %scan3A_5, %scan3A_6 : i32
    %scan3A_8 = arith.constant 1 : i32
    %scan3A_9 = scf.for %scan3A_11 = %scan3A_5 to %scan3A_7 step %scan3A_8 iter_args(%scan3A_12 = %scan3A) -> (i32)  : i32 {
      %mul3A_13 = arith.constant 16 : i32
      %mul3A_14 = arith.muli %scan3A_11, %mul3A_13 : i32
      %get3A = arith.index_cast %mul3A_14 : i32 to index
      %get3A_15 = tpu.vector_load %arg5[%get3A] {strides = array<i32>} : memref<10000xi32, #tpu.memory_space<vmem>>, vector<16xi32>,
      %gather3A = tpu.vector_load_idx %arg7[%get3A_15] : memref<10000xf32, #tpu.memory_space<vmem>>[vector<16xi32>], vector<16xf32>,
      %get3A_16 = arith.index_cast %mul3A_14 : i32 to index
      %get3A_17 = tpu.vector_load %arg6[%get3A_16] {strides = array<i32>} : memref<10000xi32, #tpu.memory_space<vmem>>, vector<16xi32>,
      %gather3A_18 = tpu.vector_load_idx %arg8[%get3A_17] : memref<10000xf32, #tpu.memory_space<vmem>>[vector<16xi32>], vector<16xf32>,
      %add3A_19 = arith.addf %gather3A, %gather3A_18 : vector<16xf32>
      %swap3A = arith.index_cast %mul3A_14 : i32 to index
      %swap3A_20 = tpu.vector_load %arg9[%swap3A] {strides = array<i32>} : memref<10000xf32, #tpu.memory_space<vmem>>, vector<16xf32>,
      tpu.vector_store %arg9[%swap3A], %add3A_19 {strides = array<i32>} : memref<10000xf32, #tpu.memory_space<vmem>>, vector<16xf32>,
      %scan3A_21 = arith.constant 0 : i32
      scf.yield %scan3A_21 : i32
    }
    %scan3A_10 = arith.constant 625 : i32
    "tpu.region"() ({
      %run_scoped3A = tpu.sem_alloc : memref<!tpu.dma_semaphore, #tpu.memory_space<semaphore_mem>>
      %dma_start3A = tpu.memref_slice %arg4[%mul3A_2] : memref<320000xf32, #tpu.memory_space<hbm>> -> memref<10000xf32, #tpu.memory_space<hbm>>
      %dma_start3A_11 = tpu.memref_slice %arg4[%mul3A_2] : memref<320000xf32, #tpu.memory_space<hbm>> -> memref<10000xf32, #tpu.memory_space<hbm>>
      tpu.enqueue_dma source(%arg9 : memref<10000xf32, #tpu.memory_space<vmem>>) target(%dma_start3A_11 : memref<10000xf32, #tpu.memory_space<hbm>>) target_semaphore(%run_scoped3A : memref<!tpu.dma_semaphore, #tpu.memory_space<semaphore_mem>>)
      %dma_wait3A = tpu.memref_slice %arg4[%mul3A_2] : memref<320000xf32, #tpu.memory_space<hbm>> -> memref<10000xf32, #tpu.memory_space<hbm>>
      %dma_wait3A_12 = tpu.memref_slice %arg4[%mul3A_2] : memref<320000xf32, #tpu.memory_space<hbm>> -> memref<10000xf32, #tpu.memory_space<hbm>>
      tpu.wait_dma2 semaphore(%run_scoped3A : memref<!tpu.dma_semaphore, #tpu.memory_space<semaphore_mem>>) src(%arg9 : memref<10000xf32, #tpu.memory_space<vmem>>) dst(%dma_wait3A_12 : memref<10000xf32, #tpu.memory_space<hbm>>)
      tpu.yield
    }) : () -> ()
    return
  }
}

module attributes {stable_mosaic.version = 14 : i64} {
  func.func @_node_scores_body(%arg0: memref<2x128xf32, #tpu.memory_space<vmem>>, %arg1: memref<10000x128xf32, #tpu.memory_space<vmem>>, %arg2: memref<2x10000xf32, #tpu.memory_space<vmem>>) attributes {dimension_semantics = [], scalar_prefetch = 0 : i64, scratch_operands = 0 : i64, tpu.core_type = #tpu.core_type<tc>} {
    %get3A = arith.constant 0 : index
    %get3A_0 = arith.constant 0 : index
    %get3A_1 = vector.load %arg0[%get3A, %get3A_0] : memref<2x128xf32, #tpu.memory_space<vmem>>, vector<2x128xf32>
    %get3A_2 = arith.constant 0 : index
    %get3A_3 = arith.constant 0 : index
    %get3A_4 = vector.load %arg1[%get3A_2, %get3A_3] : memref<10000x128xf32, #tpu.memory_space<vmem>>, vector<10000x128xf32>
    %dot_general3A = arith.constant dense<0.000000e+00> : vector<2x10000xf32>
    %dot_general3A_5 = tpu.matmul %get3A_1, %get3A_4, %dot_general3A {dimension_numbers = #tpu.dot_dimension_numbers<[1], [1], [0], [0], [0, 0, 1, 0], [], []>, transpose_lhs_hint = false} : vector<2x128xf32>, vector<10000x128xf32>, vector<2x10000xf32> -> vector<2x10000xf32>
    %swap3A = arith.constant 0 : index
    %swap3A_6 = arith.constant 0 : index
    %swap3A_7 = vector.load %arg2[%swap3A, %swap3A_6] : memref<2x10000xf32, #tpu.memory_space<vmem>>, vector<2x10000xf32>
    tpu.vector_store %arg2[%swap3A, %swap3A_6], %dot_general3A_5 {strides = array<i32>} : memref<2x10000xf32, #tpu.memory_space<vmem>>, vector<2x10000xf32>,
    return
  }
}

module attributes {stable_mosaic.version = 14 : i64} {
  func.func @_edge_out_body(%arg0: i32, %arg1: memref<1x200xf32, #tpu.memory_space<vmem>>, %arg2: memref<1x16xf32, #tpu.memory_space<vmem>>, %arg3: memref<1xf32, #tpu.memory_space<smem>>, %arg4: memref<200x6400xf32, #tpu.memory_space<vmem>>, %arg5: memref<16x6400xf32, #tpu.memory_space<vmem>>, %arg6: memref<1x6400xf32, #tpu.memory_space<vmem>>, %arg7: memref<1x6400xf32, #tpu.memory_space<vmem>>) attributes {dimension_semantics = [#tpu.dimension_semantics<arbitrary>], iteration_bounds = array<i64: 50>, scalar_prefetch = 0 : i64, scratch_operands = 0 : i64, tpu.core_type = #tpu.core_type<tc>, window_params = [{pipeline_mode = #tpu.pipeline_mode<synchronous>, transform_indices = @transform_0, window_bounds = array<i64: 1, 200>}, {pipeline_mode = #tpu.pipeline_mode<synchronous>, transform_indices = @transform_1, window_bounds = array<i64: 1, 16>}, {transform_indices = @transform_2, window_bounds = array<i64: 1>}, {transform_indices = @transform_3, window_bounds = array<i64: 200, 6400>}, {transform_indices = @transform_4, window_bounds = array<i64: 16, 6400>}, {transform_indices = @transform_5, window_bounds = array<i64: 1, 6400>}, {transform_indices = @transform_6, window_bounds = array<i64: 1, 6400>}]} {
    %get3A = arith.constant 0 : index
    %get3A_0 = arith.constant 0 : index
    %get3A_1 = vector.load %arg1[%get3A, %get3A_0] : memref<1x200xf32, #tpu.memory_space<vmem>>, vector<1x200xf32>
    %get3A_2 = arith.constant 0 : index
    %get3A_3 = arith.constant 0 : index
    %get3A_4 = vector.load %arg4[%get3A_2, %get3A_3] : memref<200x6400xf32, #tpu.memory_space<vmem>>, vector<200x6400xf32>
    %dot_general3A = arith.constant dense<0.000000e+00> : vector<1x6400xf32>
    %dot_general3A_5 = tpu.matmul %get3A_1, %get3A_4, %dot_general3A {dimension_numbers = #tpu.dot_dimension_numbers<[1], [0], [0], [1], [0, 0, 1, 1], [], []>, transpose_lhs_hint = false} : vector<1x200xf32>, vector<200x6400xf32>, vector<1x6400xf32> -> vector<1x6400xf32>
    %get3A_6 = arith.constant 0 : index
    %get3A_7 = arith.constant 0 : index
    %get3A_8 = vector.load %arg2[%get3A_6, %get3A_7] : memref<1x16xf32, #tpu.memory_space<vmem>>, vector<1x16xf32>
    %get3A_9 = arith.constant 0 : index
    %get3A_10 = arith.constant 0 : index
    %get3A_11 = vector.load %arg5[%get3A_9, %get3A_10] : memref<16x6400xf32, #tpu.memory_space<vmem>>, vector<16x6400xf32>
    %dot_general3A_12 = arith.constant dense<0.000000e+00> : vector<1x6400xf32>
    %dot_general3A_13 = tpu.matmul %get3A_8, %get3A_11, %dot_general3A_12 {dimension_numbers = #tpu.dot_dimension_numbers<[1], [0], [0], [1], [0, 0, 1, 1], [], []>, transpose_lhs_hint = false} : vector<1x16xf32>, vector<16x6400xf32>, vector<1x6400xf32> -> vector<1x6400xf32>
    %add3A = arith.addf %dot_general3A_5, %dot_general3A_13 : vector<1x6400xf32>
    %get3A_14 = arith.constant 0 : index
    %get3A_15 = arith.constant 0 : index
    %get3A_16 = vector.load %arg6[%get3A_14, %get3A_15] : memref<1x6400xf32, #tpu.memory_space<vmem>>, vector<1x6400xf32>
    %add3A_17 = arith.addf %add3A, %get3A_16 : vector<1x6400xf32>
    %get3A_18 = arith.constant 0 : index
    %get3A_19 = memref.load %arg3[%get3A_18] : memref<1xf32, #tpu.memory_space<smem>>
    %add3A_20 = vector.broadcast %get3A_19 : f32 to vector<1x6400xf32>
    %add3A_21 = arith.addf %add3A_17, %add3A_20 : vector<1x6400xf32>
    %swap3A = arith.constant 0 : index
    %swap3A_22 = arith.constant 0 : index
    %swap3A_23 = vector.load %arg7[%swap3A, %swap3A_22] : memref<1x6400xf32, #tpu.memory_space<vmem>>, vector<1x6400xf32>
    tpu.vector_store %arg7[%swap3A, %swap3A_22], %add3A_21 {strides = array<i32>} : memref<1x6400xf32, #tpu.memory_space<vmem>>, vector<1x6400xf32>,
    return
  }
  func.func @transform_0(%arg0: i32) -> (i32, i32) {
    %c0_i32 = arith.constant 0 : i32
    %c0_i32_0 = arith.constant 0 : i32
    %c0_i32_1 = arith.constant 0 : i32
    return %c0_i32, %c0_i32_0 : i32, i32
  }
  func.func @transform_1(%arg0: i32) -> (i32, i32) {
    %c0_i32 = arith.constant 0 : i32
    %c0_i32_0 = arith.constant 0 : i32
    %c0_i32_1 = arith.constant 0 : i32
    return %c0_i32, %c0_i32_0 : i32, i32
  }
  func.func @transform_2(%arg0: i32) -> i32 {
    %c0_i32 = arith.constant 0 : i32
    %c0_i32_0 = arith.constant 0 : i32
    return %c0_i32 : i32
  }
  func.func @transform_3(%arg0: i32) -> (i32, i32) {
    %c0_i32 = arith.constant 0 : i32
    %c0_i32_0 = arith.constant 0 : i32
    return %c0_i32, %arg0 : i32, i32
  }
  func.func @transform_4(%arg0: i32) -> (i32, i32) {
    %c0_i32 = arith.constant 0 : i32
    %c0_i32_0 = arith.constant 0 : i32
    return %c0_i32, %arg0 : i32, i32
  }
  func.func @transform_5(%arg0: i32) -> (i32, i32) {
    %c0_i32 = arith.constant 0 : i32
    %c0_i32_0 = arith.constant 0 : i32
    return %c0_i32, %arg0 : i32, i32
  }
  func.func @transform_6(%arg0: i32) -> (i32, i32) {
    %c0_i32 = arith.constant 0 : i32
    %c0_i32_0 = arith.constant 0 : i32
    return %c0_i32, %arg0 : i32, i32
  }
}

</mosaic_0001>

<sc_bundles>
// kernel: kernel.5.cloned.1.call-start
scs
__scs_entry_jumppad:
0x0: {  	(pc) =	sbr.rel $0x88, $3  }
0x1: {  	(tag) =	ssettag $0x0;
	lr =	simm.s32 $0x1  }
0x2: {  	[smem:$0x3F9B] =	sst lr;
	_ =	strace $0xD0000000  }
0x3: {  	_ = 	snop  }
0x4: {  	_ = 	snop  }
0x5: {  	_ = 	snop  }
0x6: {  	_ = 	snop  }
0x7: {  	_ = 	snop  }
__scs_overlays_trampoline_lowered:
0x8: {  	[smem:$0x3FAA] =	sst s0  }
0x9: {  	[smem:$0x3FAB] =	sst s1  }
0xa: {  	[smem:$0x3FAC] =	sst s2  }
0xb: {  	[smem:$0x3FAD] =	sst s3  }
0xc: {  	[smem:$0x3FAE] =	sst s4  }
0xd: {  	[smem:$0x3FAF] =	sst s5  }
0xe: {  	[smem:$0x3FB0] =	sst s6  }
0xf: {  	[smem:$0x3FB1] =	sst s7  }
0x10: {  	[smem:$0x3FB2] =	sst s8  }
0x11: {  	[smem:$0x3FB3] =	sst s9;
	s0 =	simm.s32 @!p0 $0x0  }
0x12: {  	s1 =	sld [smem:$0x3F99];
	s0 =	simm.s32 @p0 $0x1  }
0x13: {  	[smem:$0x3FB4] =	sst s0;
	s0 =	simm.s32 @!p1 $0x0  }
0x14: {  	s2 =	sld [smem:$0x3F98];
	s0 =	simm.s32 @p1 $0x1  }
0x15: {  	[smem:$0x3FB5] =	sst s0;
	s0 =	simm.s32 @!p2 $0x0  }
0x16: {  	s3 =	sld [smem:$0x3FDB];
	s0 =	simm.s32 @p2 $0x1  }
0x17: {  	s4 =	simm.s32 $0x1BF5;
	[smem:$0x3FB7] =	sst s0  }
0x18: {  	s0 =	sld [smem:$0x3F9A];
	_ =	swait.ge [sflag:s4], $0x0  }
0x19: {  	s7 =	sld [smem:$0x3F9B]  }
0x1a: {  	s8 =	sadd.s32 $0xFFFFE003, lr  }
0x1b: {  	s9 =	sadd.s32 $0xFFFFFEF7, lr;
	s5 =	simm.s32 $0xFFFFFFFF;
	p2 =	slt.u32 s8, $0xFFFFF086  }
0x1c: {  	p1 =	slt.u32 s9, $0xF7A;
	s5 =	simm.s32 @!p2 $0x0  }
0x1d: {  	s5 =	simm.s32 @p1 $0x1;
	p0 =	seq.s32 s7, s2  }
0x1e: {  	s7 =	smul.u32 @!p0 $0xF7A, s2;
	p2 =	seq.s32 @!p0 s5, $0x0  }
0x1f: {  	s9 =	smul.u32 $0xF7A, s1;
	s8 =	simm.s32 @!p0 $0x1BF5;
	p2 =	por !p2, p0  }
0x20: {  	[sflag:s8] =	ssyncset.s32 @!p0 $0xFFFFF086;
	s6 =	sadd.s32 @!p0 s3, s7;
	s7 =	simm.s32 @!p0 $0x108  }
0x21: {  	s3 =	sadd.s32 s3, s9;
	s6 =	sadd.s32 @!p0 $0x88, s6;
	s7 =	simm.s32 @p2 $0x1082  }
0x22: {  	[simem:s7], [sflag:s8] =	dma.local @!p0 [hbm:s6], $0xF7A  }
0x23: {  	s9 =	sor.u32 $0xD0000000, s2;
	s6 =	simm.s32 $0x108;
	_ =	swait.ge @!p0 [sflag:s8], $0x0  }
0x24: {  	s3 =	sadd.s32 $0x88, s3;
	s6 =	simm.s32 @!p1 $0x1082;
	[sflag:s4] =	ssyncset.s32 $0xFFFFF086  }
0x25: {  	[simem:s6], [sflag:s4] =	dma.local [hbm:s3], $0xF7A  }
0x26: {  	[smem:$0x3F9B] =	sst s1;
	(tag) =	ssettag s2;
	_ =	strace s9  }
0x27: {  	s1 =	sld [smem:$0x3FAB]  }
0x28: {  	s2 =	sld [smem:$0x3FAC]  }
0x29: {  	s4 =	sld [smem:$0x3FAE]  }
0x2a: {  	p0 =	seq.s32 s5, $0x0;
	s5 =	sld [smem:$0x3FAF]  }
0x2b: {  	s6 =	sld [smem:$0x3FB0]  }
0x2c: {  	s7 =	sld [smem:$0x3FB1]  }
0x2d: {  	s3 =	simm.s32 $0x108;
	s8 =	sld [smem:$0x3FB2]  }
0x2e: {  	s3 =	simm.s32 @!p0 $0x1082;
	s9 =	sld [smem:$0x3FB3]  }
0x2f: {  	lr =	sadd.s32 s0, s3;
	s0 =	sld [smem:$0x3FAA]  }
0x30: {  	s3 =	sld [smem:$0x3FAD]  }
0x31: {  	[smem:$0x3FB6] =	sst s10  }
0x32: {  	s10 =	sld [smem:$0x3FB4];
	_ =	sdelay $0x3  }
0x33: {  	p0 =	seq.s32 s10, $0x1;
	s10 =	sld [smem:$0x3FB6];
	_ =	sdelay $0x3  }
0x34: {  	[smem:$0x3FB6] =	sst s10  }
0x35: {  	s10 =	sld [smem:$0x3FB5];
	_ =	sdelay $0x3  }
0x36: {  	p1 =	seq.s32 s10, $0x1;
	s10 =	sld [smem:$0x3FB6];
	_ =	sdelay $0x3  }
0x37: {  	[smem:$0x3FB6] =	sst s10  }
0x38: {  	s10 =	sld [smem:$0x3FB7]  }
0x39: {  	_ = 	snop;
	(pc) =	sbr.ind lr, $3  }
0x3a: {  	_ = 	snop  }
0x3b: {  	_ = 	snop  }
0x3c: {  	p2 =	seq.s32 s10, $0x1;
	s10 =	sld [smem:$0x3FB6]  }
0x3d: {  	_ =	shalt  }
0x3e: {  	_ =	shalt  }
0x3f: {  	_ =	shalt  }
0x40: {  	_ =	shalt  }
0x41: {  	_ =	shalt  }
0x42: {  	_ =	shalt  }
0x43: {  	_ =	shalt  }
0x44: {  	_ =	shalt  }
0x45: {  	_ =	shalt  }
0x46: {  	_ =	shalt  }
0x47: {  	_ =	shalt  }
0x48: {  	_ =	shalt  }
0x49: {  	_ =	shalt  }
0x4a: {  	_ =	shalt  }
0x4b: {  	_ =	shalt  }
0x4c: {  	_ =	shalt  }
0x4d: {  	_ =	shalt  }
0x4e: {  	_ =	shalt  }
0x4f: {  	_ =	shalt  }
0x50: {  	_ =	shalt  }
0x51: {  	_ =	shalt  }
0x52: {  	_ =	shalt  }
0x53: {  	_ =	shalt  }
0x54: {  	_ =	shalt  }
0x55: {  	_ =	shalt  }
0x56: {  	_ =	shalt  }
0x57: {  	_ =	shalt  }
0x58: {  	_ =	shalt  }
0x59: {  	_ =	shalt  }
0x5a: {  	_ =	shalt  }
0x5b: {  	_ =	shalt  }
0x5c: {  	_ =	shalt  }
0x5d: {  	_ =	shalt  }
0x5e: {  	_ =	shalt  }
0x5f: {  	_ =	shalt  }
0x60: {  	_ =	shalt  }
0x61: {  	_ =	shalt  }
0x62: {  	_ =	shalt  }
0x63: {  	_ =	shalt  }
0x64: {  	_ =	shalt  }
0x65: {  	_ =	shalt  }
0x66: {  	_ =	shalt  }
0x67: {  	_ =	shalt  }
0x68: {  	_ =	shalt  }
0x69: {  	_ =	shalt  }
0x6a: {  	_ =	shalt  }
0x6b: {  	_ =	shalt  }
0x6c: {  	_ =	shalt  }
0x6d: {  	_ =	shalt  }
0x6e: {  	_ =	shalt  }
0x6f: {  	_ =	shalt  }
0x70: {  	_ =	shalt  }
0x71: {  	_ =	shalt  }
0x72: {  	_ =	shalt  }
0x73: {  	_ =	shalt  }
0x74: {  	_ =	shalt  }
0x75: {  	_ =	shalt  }
0x76: {  	_ =	shalt  }
0x77: {  	_ =	shalt  }
0x78: {  	_ =	shalt  }
0x79: {  	_ =	shalt  }
0x7a: {  	_ =	shalt  }
0x7b: {  	_ =	shalt  }
0x7c: {  	_ =	shalt  }
0x7d: {  	_ =	shalt  }
0x7e: {  	_ =	shalt  }
0x7f: {  	_ =	shalt  }
0x80: {  	_ =	shalt  }
0x81: {  	_ =	shalt  }
0x82: {  	_ =	shalt  }
0x83: {  	_ =	shalt  }
0x84: {  	_ =	shalt  }
0x85: {  	_ =	shalt  }
0x86: {  	_ =	shalt  }
0x87: {  	_ =	shalt  }
.Lfunc_end0:
.L_simem_size_0:
called_computation_lowered:
.L_overlay_start_0:
0x88: {  	s2 =	sld [smem:$0x3FD9]  }
0x89: {  	s3 =	sld [smem:$0x3FFE];
	_ =	sdelay $0x1  }
0x8a: {  	s1 =	srdreg.scid  }
0x8b: {  	s0 =	sand.u32 $0x1, s1  }
0x8c: {  	s17 =	sshll.u32 s0, $0xA;
	s2 =	sadd.s32 s3, s2  }
0x8d: {  	s2 =	sadd.s32 s2, s17  }
0x8e: {  	[smem:$0x3FC2] =	sst s2  }
0x8f: {  	_ = 	snop  }
0x90: {  	s2 =	sld [smem:$0x3FD0];
	(tm) =	ssettm $0x1  }
0x91: {  	s18 =	sld [smem:$0x3FFB];
	_ =	sdelay $0x3  }
0x92: {  	_ =	strace s18  }
0x93: {  	s3 =	sld [smem:$0x3FFC];
	_ =	sdelay $0x3  }
0x94: {  	_ =	strace s3  }
0x95: {  	s3 =	sld [smem:$0x3FFD];
	_ =	sdelay $0x3  }
0x96: {  	_ =	strace s3  }
0x97: {  	_ =	strace $0x8FFFFFFF  }
0x98: {  	s19 =	sld [smem:$0x3FDB];
	_ =	sdelay $0x1  }
0x99: {  	s4 =	simm.s32 $_scs_section_size  }
0x9a: {  	s5 =	simm.s32 $_size__tile_overlayer_lowered;
	s6 =	simm.s32 $_tile_overlayer_lowered  }
0x9b: {  	s22 =	simm.s32 $0x1BFF;
	s21 =	sshll.u32 s6, $0x1;
	s3 =	sadd.s32 s4, s19  }
0x9c: {  	s7 =	simm.s32 $0x0;
	s20 =	sshll.u32 s5, $0x1;
	s5 =	sadd.s32 s21, s3  }
0x9d: {  	[timem:s7], [sflag:s22] =	dma.local [hbm:s5], s20  }
0x9e: {  	_ =	swait.ge [sflag:s22], s20  }
0x9f: {  	s4 =	ssub.s32 $0x0, s20;
	[sflag:s22] =	ssyncset.done $0x0  }
0xa0: {  	[sflag:s22] =	ssyncadd.s32 s4;
	_ =	sdelay $0x1  }
0xa1: {  	s23 =	simm.s32 $0x1B8B  }
0xa2: {  	_ =	swait.ge [sflag:s23], $0x1  }
0xa3: {  	[sflag:s23] =	ssyncset.done $0x0  }
0xa4: {  	s25 =	simm.s32 $0x1B8E;
	s24 =	sld [smem:$0x3FFE];
	[sflag:s23] =	ssyncadd.s32 $0xFFFFFFFF  }
0xa5: {  	s26 =	simm.s32 $execute0_lowered;
	[smem:$0x3FD2] =	sst s25  }
0xa6: {  	s5 =	sshll.u32 s26, $0x1;
	_ =	strace $0x80000046;
	[dreg:$0x1] =	wrdreg $0xFFFFFFFF  }
0xa7: {  	s28 =	simm.s32 $_size_execute0_lowered;
	s3 =	sadd.s32 s3, s5;
	[dreg:$0x0] =	wrdreg $0x0  }
0xa8: {  	s5 =	sshll.u32 s28, $0x1;
	[dreg:$0x2] =	wrdreg s3  }
0xa9: {  	[dreg:$0x3] =	wrdreg s5  }
0xaa: {  	[dreg:$0x4] =	wrdreg $0xC0  }
0xab: {  	_ =	task [dreg:s7], $0x5FFFF  }
0xac: {  	[dreg:$0x1] =	wrdreg $0xFFFFFFFF  }
0xad: {  	[dreg:$0x0] =	wrdreg $0x60  }
0xae: {  	[dreg:$0x2] =	wrdreg s2  }
0xaf: {  	[dreg:$0x3] =	wrdreg s24  }
0xb0: {  	[dreg:$0x4] =	wrdreg $0x9  }
0xb1: {  	_ =	task.clear_ibuf [dreg:s7], $0x5FFFF;
	_ =	strace $0x90000046  }
0xb2: {  	s29 =	simm.s32 $0x9;
	_ =	strace $0x80000048  }
0xb3: {  	_ =	swait.ge [sflag:s29], $0x1  }
0xb4: {  	[sflag:s29] =	ssyncadd.s32 $0xFFFFFFFF  }
0xb5: {  	_ =	strace $0x90000048  }
0xb6: {  	_ =	sfence  }
0xb7: {  	s30 =	sld [smem:$0x0];
	_ =	sdelay $0x2  }
0xb8: {  	s31 =	sshll.u32 s1, $0xD;
	s1 =	sshrl.u32 s1, $0x2  }
0xb9: {  	s3 =	sand.u32 $0x4000, s31;
	s1 =	sadd.s32 s1, s30  }
0xba: {  	s0 =	sor.u32 s3, s0;
	s1 =	sshll.u32 s1, $0x11  }
0xbb: {  	s0 =	sor.u32 s1, s0  }
0xbc: {  	s0 =	sadd.s32 $0x8F2B, s0  }
0xbd: {  	[sflag:s0] =	ssyncadd.remote.s32 $0x1  }
0xbe: {  	_ =	sfence.sel $0xFFFF  }
0xbf: {  	[dreg:$0x0] =	wrdreg $0xFFFFFFFF;
	(pc) =	sbr.abs _section_cstart, $3  }
0xc0: {  	[dreg:$0x1] =	wrdreg $0xFFFFFFFF  }
0xc1: {  	_ =	task.clear_ibuf [dreg:s7], $0x2FFFF;
	_ =	strace $0x9FFFFFFF  }
0xc2: {  	(tm) =	ssettm $0x7FFFFFFF  }
0xc3: {  	_ =	shalt  }
tec
execute0_lowered:
.L_overlay_start_1:
0x0: {  	(tag) =	ssettag $0x1  }
0x1: {  	s1 =	srdreg.scid;
	s2 =	rddreg [dreg:$0x0]  }
0x2: {  	s0 =	stileid.u32;
	s5 =	rddreg [dreg:$0x1]  }
0x3: {  	s3 =	simm.s32 $0x0;
	s9 =	simm.s32 $0x4F00;
	s10 =	simm.s32 $0x1  }
0x4: {  	s11 =	simm.s32 $0x7680;
	s4 =	sand.u32 $0x1, s1;
	s30 =	sshll.u32 s0, $0x1  }
0x5: {  	s12 =	simm.s32 $0x2780;
	s13 =	simm.s32 $0x9E00;
	s1 =	sor.u32 s4, s30  }
0x6: {  	[smem:$0x7FF] =	sst s3;
	s4 =	ssub.s32 $0x2, s4;
	s6 =	smul.u32 $0x2710, s1  }
0x7: {  	s14 =	simm.s32 $0x0;
	s1 =	rddreg [dreg:$0x2];
	s31 =	sshrl.u32 s4, $0x1  }
0x8: {  	_ =	strace $0x80000047;
	s8 =	ssub.s32 s4, s31;
	s6 =	sshrl.u32 s6, $0x3  }
0x9: {  	s4 =	sadd.s32 $0x4E2, s2;
	s8 =	smax.u32 s8, $0x1;
	s7 =	sadd.s32 s6, s5  }
0xa: {  	s5 =	sadd.s32 $0xA00, s7;
	s6 =	sadd.s32 $0xA640, s7;
	s7 =	sadd.s32 $0x14400, s7  }
.LBB2_1:
0xb: {  	[tilespmem:s9], [sflag:$0x1] =	stream.linear.gather [hbm4b:s2+s3], $0x2710, $0x38;
	[tilespmem:$0xC580] =	vst v63  }
0xc: {  	_ =	swait.ge [sflag:s10], $0x2710  }
0xd: {  	[sflag:s10] =	ssyncset.done $0x0  }
0xe: {  	[sflag:s10] =	ssyncadd.s32 $0xFFFFD8F0  }
0xf: {  	[tilespmem:s11], [sflag:$0x1] =	stream.linear.gather [hbm4b:s4+s3], $0x2710, $0x38;
	[tilespmem:$0xC580] =	vst v63  }
0x10: {  	_ =	swait.ge [sflag:s10], $0x2710  }
0x11: {  	[sflag:s10] =	ssyncset.done $0x0  }
0x12: {  	[sflag:s10] =	ssyncadd.s32 $0xFFFFD8F0  }
0x13: {  	[tilespmem:s3], [sflag:$0x1] =	stream.linear.gather [hbm4b:s5+s3], $0x2710, $0x38;
	[tilespmem:$0xC580] =	vst v63  }
0x14: {  	_ =	swait.ge [sflag:s10], $0x2710  }
0x15: {  	[sflag:s10] =	ssyncset.done $0x0  }
0x16: {  	[sflag:s10] =	ssyncadd.s32 $0xFFFFD8F0  }
0x17: {  	[tilespmem:s12], [sflag:$0x1] =	stream.linear.gather [hbm4b:s6+s3], $0x2710, $0x38;
	[tilespmem:$0xC580] =	vst v63  }
0x18: {  	_ =	swait.ge [sflag:s10], $0x2710  }
0x19: {  	[sflag:s10] =	ssyncset.done $0x0  }
0x1a: {  	s15 =	simm.s32 $0x0;
	[sflag:s10] =	ssyncadd.s32 $0xFFFFD8F0  }
0x1b: {  	v0 =	vld [tilespmem:s15+$0x2780]  }
0x1c: {  	v1 =	vld [tilespmem:s15+$0x0];
	_ =	sdelay $0x6  }
0x1d: {  	v0 =	vld.idx.msk [tilespmem:v0+s11+$0x0], $0xffff  }
0x1e: {  	s16 =	simm.s32 $0x10;
	v2 =	vld.idx.msk [tilespmem:v1+s9+$0x0], $0xffff  }
0x1f: {  	s17 =	simm.s32 $0x80;
	v1 =	vld [tilespmem:s16+$0x2780]  }
.LBB2_2:
0x20: {  	p0 =	sne.s32 s17, $0x9C00;
	v3 =	vld [tilespmem:s16+$0x0];
	_ =	sdelay $0x3  }
0x21: {  	v0 =	vadd.f32 v0, v2  }
.Ltmp0:
0x22: {  	(pc) =	sbr.rel @p0 .LBB2_2-.Ltmp0, $4  }
0x23: {  	[tilespmem:s15+$0x9E00] =	vst v0;
	s15 =	smov.u32 s16  }
0x24: {  	v0 =	vld.idx.msk [tilespmem:v1+s11+$0x0], $0xffff  }
0x25: {  	s16 =	sshra.s32 s17, $0x2;
	v2 =	vld.idx.msk [tilespmem:v3+s9+$0x0], $0xffff  }
0x26: {  	s17 =	sadd.s32 $0x40, s17;
	v1 =	vld [tilespmem:s16+$0x2780]  }
0x27: {  	_ = 	snop  }
0x28: {  	v3 =	vld [tilespmem:s16+$0x0];
	_ =	sdelay $0x3  }
0x29: {  	v0 =	vadd.f32 v0, v2;
	_ =	sdelay $0x1  }
0x2a: {  	[tilespmem:s15+$0x9E00] =	vst v0  }
0x2b: {  	v0 =	vld.idx.msk [tilespmem:v1+s11+$0x0], $0xffff  }
0x2c: {  	v63 =	vld.idx.msk [tilespmem:v3+s9+$0x0], $0xffff;
	_ =	sdelay $0x4  }
0x2d: {  	s14 =	sadd.s32 $0x1, s14;
	v0 =	vadd.f32 v0, v63  }
0x2e: {  	p0 =	sne.s32 s14, s8  }
.Ltmp1:
0x2f: {  	[tilespmem:s16+$0x9E00] =	vst v0;
	(pc) =	sbr.rel @p0 .LBB2_1-.Ltmp1, $4  }
0x30: {  	[hbm4b:s7+s3] =	stream.linear.scatter [tilespmem:s13], [sflag:$0x1], $0x2710, $0x38;
	[tilespmem:$0xC580] =	vst v63  }
0x31: {  	_ =	swait.ge [sflag:s10], $0x2710  }
0x32: {  	[sflag:s10] =	ssyncset.done $0x0  }
0x33: {  	[sflag:s10] =	ssyncadd.s32 $0xFFFFD8F0  }
0x34: {  	_ =	sfence.sel $0x180000  }
0x35: {  	[bflag:$0x0] =	sbarrier.arrive $0xFFFF  }
0x36: {  	p0 =	sne.s32 s0, $0x0;
	_ =	strace $0x90000047  }
0x37: {  	s0 =	sadd.s32 @!p0 $0x100000, s1;
	[bflag:$0x2] =	sbarrier.arrive $0xFFFF  }
0x38: {  	[sflag:s0] =	ssyncadd.tile.s32 @!p0 $0x1;
	_ =	shalt  }
.Lfunc_end2:
_tile_overlayer_lowered:
.L_overlay_start_2:
0x39: {  	(tag) =	ssettag $0x2  }
0x3a: {  	s0 =	rddreg [dreg:$0x0];
	s2 =	stileid.u32  }
0x3b: {  	s1 =	rddreg [dreg:$0x1];
	p0 =	sne.s32 s2, $0x0  }
0x3c: {  	s3 =	rddreg [dreg:$0x2];
	[bflag:$0x3] =	sbarrier.arrive $0xFFFF;
	s2 =	simm.s32 @!p0 $0x1C01  }
0x3d: {  	[timem:s3], [sflag:s2] =	dma.local @!p0 [hbm:s0], s1  }
0x3e: {  	s0 =	simm.s32 @!p0 $0x1  }
0x3f: {  	_ =	swait.ge @!p0 [sflag:s0], s1  }
0x40: {  	s1 =	ssub.s32 @!p0 $0x0, s1;
	[sflag:s0] =	ssyncset.done @!p0 $0x0  }
0x41: {  	[sflag:s0] =	ssyncadd.s32 @!p0 s1  }
0x42: {  	[bflag:$0x3] =	sbarrier.arrive $0xFFFF  }
0x43: {  	_ =	shalt  }

</sc_bundles>
